<compile_context>
chip_gen: v7x
topology: tpu7x:2x2x1
jax: 0.10.2.dev20260603
libtpu: 0.0.44.dev20260713+nightly
codegen_flags: <defaults>
</compile_context>

<pallas_src>
import functools

import jax
import jax.numpy as jnp
from jax import lax
from jax.experimental import pallas as pl
from jax.experimental.pallas import tpu as pltpu
from jax.experimental.pallas import tpu_sc as plsc

N_NODES = 10000
IN_F = 128
OUT_F = 128
N_EDGES = 320000

NC = 2
NS = 16
L = 16
NW = NC * NS
FPT = IN_F // NW
PPT = FPT // 2
HALF = IN_F // 2
CHUNK = 6400
NCHUNK = N_EDGES // CHUNK
GROUPS = CHUNK // L
TBL = PPT * N_NODES
ACC = FPT * N_NODES


_EROWS = N_EDGES // 128


def _pack_body(i_ref, x_ref, ei_ref, o_ref, pidx_ref):
    xt = lax.dot_general(
        i_ref[...],
        x_ref[...],
        dimension_numbers=(((1,), (1,)), ((), ())),
        preferred_element_type=jnp.float32,
    )
    lo = lax.bitcast_convert_type(
        xt[:HALF].astype(jnp.bfloat16), jnp.uint16
    ).astype(jnp.uint32)
    hi = lax.bitcast_convert_type(
        xt[HALF:].astype(jnp.bfloat16), jnp.uint16
    ).astype(jnp.uint32)
    o_ref[...] = lax.bitcast_convert_type(lo | (hi << 16), jnp.int32)
    ei = ei_ref[...]
    pidx_ref[...] = ei[:_EROWS] | (ei[_EROWS:] << 16)


def _x_packed(x, ei2d):
    n = x.shape[0]
    eye = jnp.eye(IN_F, dtype=jnp.float32)
    return pl.pallas_call(
        _pack_body,
        out_shape=(
            jax.ShapeDtypeStruct((HALF, n), jnp.int32),
            jax.ShapeDtypeStruct((_EROWS, 128), jnp.int32),
        ),
    )(eye, x, ei2d)


def _out_body(aggt_ref, w_ref, b_ref, o_ref):
    o_ref[...] = lax.dot_general(
        aggt_ref[...],
        w_ref[...],
        dimension_numbers=(((0,), (0,)), ((), ())),
        preferred_element_type=jnp.float32,
    ) + b_ref[...][None, :]


def _out_matmul(aggt, W, b):
    return pl.pallas_call(
        _out_body,
        out_shape=jax.ShapeDtypeStruct((N_NODES, OUT_F), jnp.float32),
    )(aggt, W, b)


_mesh = plsc.VectorSubcoreMesh(
    core_axis_name="c", subcore_axis_name="s", num_cores=NC, num_subcores=NS
)


@functools.partial(
    pl.kernel,
    out_type=jax.ShapeDtypeStruct((IN_F * N_NODES,), jnp.float32),
    mesh=_mesh,
    compiler_params=pltpu.CompilerParams(needs_layout_passes=False),
    scratch_types=[
        pltpu.VMEM((TBL,), jnp.int32),
        pltpu.VMEM((ACC,), jnp.float32),
        pltpu.VMEM((CHUNK,), jnp.int32),
        pltpu.VMEM((CHUNK,), jnp.float32),
        pltpu.VMEM((CHUNK,), jnp.int32),
        pltpu.VMEM((CHUNK,), jnp.float32),
        pltpu.SemaphoreType.DMA,
        pltpu.SemaphoreType.DMA,
        pltpu.SemaphoreType.DMA,
        pltpu.SemaphoreType.DMA,
    ],
)
def _sc_agg(sup_hbm, pidx_hbm, ew_hbm, out_hbm,
            table_v, acc_v,
            pidx0, ew0, pidx1, ew1,
            sem_p0, sem_w0, sem_p1, sem_w1):
    cid = lax.axis_index("c")
    sid = lax.axis_index("s")
    wid = sid * NC + cid

    pltpu.sync_copy(sup_hbm.at[pl.ds(wid * TBL, TBL)], table_v)

    zvec = jnp.zeros((L,), jnp.float32)

    @pl.loop(0, ACC // L)
    def _init(i):
        acc_v[pl.ds(i * L, L)] = zvec

    slots = (
        (pidx0, ew0, sem_p0, sem_w0),
        (pidx1, ew1, sem_p1, sem_w1),
    )

    def start(c, slot):
        p_b, w_b, p_s, w_s = slot
        off = c * CHUNK
        pltpu.make_async_copy(pidx_hbm.at[pl.ds(off, CHUNK)], p_b, p_s).start()
        pltpu.make_async_copy(ew_hbm.at[pl.ds(off, CHUNK)], w_b, w_s).start()

    def wait(slot):
        p_b, w_b, p_s, w_s = slot
        pltpu.make_async_copy(pidx_hbm.at[pl.ds(0, CHUNK)], p_b, p_s).wait()
        pltpu.make_async_copy(ew_hbm.at[pl.ds(0, CHUNK)], w_b, w_s).wait()

    def process(slot):
        p_b, w_b = slot[:2]

        @plsc.parallel_loop(0, GROUPS, unroll=1)
        def _grp(g):
            o = g * L
            p = p_b[pl.ds(o, L)]
            w = w_b[pl.ds(o, L)]
            s = p & 0xFFFF
            d = lax.shift_right_logical(p, 16)
            for fp in range(PPT):
                si = s if fp == 0 else s + fp * N_NODES
                vp = plsc.load_gather(table_v, [si])
                vlo = plsc.bitcast(lax.shift_left(vp, 16), jnp.float32)
                vhi = plsc.bitcast(vp & jnp.int32(-65536), jnp.float32)
                dlo = d if fp == 0 else d + fp * N_NODES
                plsc.addupdate_scatter(acc_v, [dlo], vlo * w)
                plsc.addupdate_scatter(
                    acc_v, [d + (2 + fp) * N_NODES], vhi * w
                )

    start(0, slots[0])
    start(1, slots[1])

    @pl.loop(0, NCHUNK, step=2)
    def _chunk(c):
        wait(slots[0])
        process(slots[0])

        @pl.when(c + 2 < NCHUNK)
        def _():
            start(c + 2, slots[0])

        wait(slots[1])
        process(slots[1])

        @pl.when(c + 3 < NCHUNK)
        def _():
            start(c + 3, slots[1])

    pltpu.sync_copy(
        acc_v.at[pl.ds(0, 2 * N_NODES)],
        out_hbm.at[pl.ds(2 * wid * N_NODES, 2 * N_NODES)],
    )
    pltpu.sync_copy(
        acc_v.at[pl.ds(2 * N_NODES, 2 * N_NODES)],
        out_hbm.at[pl.ds((HALF + 2 * wid) * N_NODES, 2 * N_NODES)],
    )


def kernel(x, edge_index, edge_weight, W, b):
    ei2d = edge_index.astype(jnp.int32).reshape(2 * _EROWS, 128)
    x_packed, pidx = _x_packed(x, ei2d)
    aggt_flat = _sc_agg(
        x_packed.reshape(-1), pidx.reshape(-1),
        edge_weight.astype(jnp.float32),
    )
    return _out_matmul(aggt_flat.reshape(IN_F, N_NODES), W, b)

# --- scband reference (transcript-rebuilt; emitter-appended) ---
"""Pipeline reference for scband-graph-convolution-55430847922769 (READ-ONLY COPY).

The authoritative reference and input builder live on the scoring server;
editing this copy changes nothing except your own understanding.
"""

import jax, jax.numpy as jnp
import numpy as np
import math

N_NODES = 10000
N_EDGES = 320000
IN_F = 128
OUT_F = 128

def setup_inputs(seed: int = 0) -> dict:
    key = jax.random.key(seed)
    k_x, k_ei, k_ew, k_w, k_b = jax.random.split(key, 5)
    x = jax.random.normal(k_x, (N_NODES, IN_F), dtype=jnp.float32)
    edge_index = jax.random.randint(k_ei, (2, N_EDGES), 0, N_NODES, dtype=jnp.int64)
    edge_weight = jax.random.uniform(k_ew, (N_EDGES,), dtype=jnp.float32)
    stdv = 1.0 / math.sqrt(OUT_F)
    W = jax.random.uniform(k_w, (IN_F, OUT_F), minval=-stdv, maxval=stdv, dtype=jnp.float32)
    b = jax.random.uniform(k_b, (OUT_F,), minval=-stdv, maxval=stdv, dtype=jnp.float32)
    return {"x": x, "edge_index": edge_index, "edge_weight": edge_weight, "W": W, "b": b}

def reference(x, edge_index, edge_weight, W, b):
    # support = X @ W  (dense mm)
    support = x @ W
    # output = spmm(adj, support): adj given in COO form (edge_index, edge_weight)
    src = edge_index[0]
    dst = edge_index[1]
    msgs = jnp.take(support, src, axis=0) * edge_weight[:, None]
    out = jax.ops.segment_sum(msgs, dst, num_segments=x.shape[0])
    return out + b

if __name__ == "__main__":
    import jax
    _d = setup_inputs()
    print(jax.jit(kernel)(*tuple(_d.values())))

</pallas_src>

<mosaic_0001>
#map = affine_map<(d0, d1) -> (0)>
module attributes {stable_mosaic.version = 14 : i64} {
  func.func @_sc_agg(%arg0: i32, %arg1: i32, %arg2: memref<640000xi32, #tpu.memory_space<hbm>>, %arg3: memref<320000xi32, #tpu.memory_space<hbm>>, %arg4: memref<320000xf32, #tpu.memory_space<hbm>>, %arg5: memref<1280000xf32, #tpu.memory_space<hbm>>, %arg6: memref<20000xi32, #tpu.memory_space<vmem>>, %arg7: memref<40000xf32, #tpu.memory_space<vmem>>, %arg8: memref<6400xi32, #tpu.memory_space<vmem>>, %arg9: memref<6400xf32, #tpu.memory_space<vmem>>, %arg10: memref<6400xi32, #tpu.memory_space<vmem>>, %arg11: memref<6400xf32, #tpu.memory_space<vmem>>, %arg12: memref<!tpu.dma_semaphore, #tpu.memory_space<semaphore_mem>>, %arg13: memref<!tpu.dma_semaphore, #tpu.memory_space<semaphore_mem>>, %arg14: memref<!tpu.dma_semaphore, #tpu.memory_space<semaphore_mem>>, %arg15: memref<!tpu.dma_semaphore, #tpu.memory_space<semaphore_mem>>) attributes {dimension_semantics = [#tpu.dimension_semantics<core_parallel>, #tpu.dimension_semantics<subcore_parallel>], iteration_bounds = array<i64: 2, 16>, scalar_prefetch = 0 : i64, scratch_operands = 10 : i64, tpu.core_type = #tpu.core_type<sc_vector_subcore>, window_params = [{transform_indices = #map}, {transform_indices = #map}, {transform_indices = #map}, {transform_indices = #map}]} {
    %mul3A = arith.constant 2 : i32
    %mul3A_0 = arith.muli %arg1, %mul3A : i32
    %add3A = arith.addi %mul3A_0, %arg0 : i32
    %mul3A_1 = arith.constant 20000 : i32
    %mul3A_2 = arith.muli %add3A, %mul3A_1 : i32
    "tpu.region"() ({
      %run_scoped3A = tpu.sem_alloc : memref<!tpu.dma_semaphore, #tpu.memory_space<semaphore_mem>>
      %dma_start3A_38 = tpu.memref_slice %arg2[%mul3A_2] : memref<640000xi32, #tpu.memory_space<hbm>> -> memref<20000xi32, #tpu.memory_space<hbm>>
      %dma_start3A_39 = tpu.memref_slice %arg2[%mul3A_2] : memref<640000xi32, #tpu.memory_space<hbm>> -> memref<20000xi32, #tpu.memory_space<hbm>>
      tpu.enqueue_dma source(%dma_start3A_39 : memref<20000xi32, #tpu.memory_space<hbm>>) target(%arg6 : memref<20000xi32, #tpu.memory_space<vmem>>) target_semaphore(%run_scoped3A : memref<!tpu.dma_semaphore, #tpu.memory_space<semaphore_mem>>)
      %dma_wait3A = tpu.memref_slice %arg2[%mul3A_2] : memref<640000xi32, #tpu.memory_space<hbm>> -> memref<20000xi32, #tpu.memory_space<hbm>>
      %dma_wait3A_40 = tpu.memref_slice %arg2[%mul3A_2] : memref<640000xi32, #tpu.memory_space<hbm>> -> memref<20000xi32, #tpu.memory_space<hbm>>
      tpu.wait_dma2 semaphore(%run_scoped3A : memref<!tpu.dma_semaphore, #tpu.memory_space<semaphore_mem>>) src(%dma_wait3A_40 : memref<20000xi32, #tpu.memory_space<hbm>>) dst(%arg6 : memref<20000xi32, #tpu.memory_space<vmem>>)
      tpu.yield
    }) : () -> ()
    %broadcast_in_dim3A = arith.constant 0.000000e+00 : f32
    %broadcast_in_dim3A_3 = vector.broadcast %broadcast_in_dim3A : f32 to vector<16xf32>
    %scan3A = arith.constant 0 : i32
    %scan3A_4 = arith.constant 2500 : i32
    %scan3A_5 = arith.addi %scan3A, %scan3A_4 : i32
    %scan3A_6 = arith.constant 1 : i32
    scf.for %scan3A_38 = %scan3A to %scan3A_5 step %scan3A_6  : i32 {
      %mul3A_39 = arith.constant 1 : i32
      %mul3A_40 = arith.muli %scan3A_38, %mul3A_39 : i32
      %add3A_41 = arith.constant 0 : i32
      %add3A_42 = arith.addi %add3A_41, %mul3A_40 : i32
      %mul3A_43 = arith.constant 16 : i32
      %mul3A_44 = arith.muli %add3A_42, %mul3A_43 : i32
      %swap3A = arith.index_cast %mul3A_44 : i32 to index
      %swap3A_45 = tpu.vector_load %arg7[%swap3A] {strides = array<i32>} : memref<40000xf32, #tpu.memory_space<vmem>>, vector<16xf32>,
      tpu.vector_store %arg7[%swap3A], %broadcast_in_dim3A_3 {strides = array<i32>} : memref<40000xf32, #tpu.memory_space<vmem>>, vector<16xf32>,
    }
    %scan3A_7 = arith.constant 2500 : i32
    %dma_start3A = arith.constant 0 : i32
    %dma_start3A_8 = tpu.memref_slice %arg3[%dma_start3A] : memref<320000xi32, #tpu.memory_space<hbm>> -> memref<6400xi32, #tpu.memory_space<hbm>>
    %dma_start3A_9 = arith.constant 0 : i32
    %dma_start3A_10 = tpu.memref_slice %arg3[%dma_start3A_9] : memref<320000xi32, #tpu.memory_space<hbm>> -> memref<6400xi32, #tpu.memory_space<hbm>>
    tpu.enqueue_dma source(%dma_start3A_10 : memref<6400xi32, #tpu.memory_space<hbm>>) target(%arg8 : memref<6400xi32, #tpu.memory_space<vmem>>) target_semaphore(%arg12 : memref<!tpu.dma_semaphore, #tpu.memory_space<semaphore_mem>>)
    %dma_start3A_11 = arith.constant 0 : i32
    %dma_start3A_12 = tpu.memref_slice %arg4[%dma_start3A_11] : memref<320000xf32, #tpu.memory_space<hbm>> -> memref<6400xf32, #tpu.memory_space<hbm>>
    %dma_start3A_13 = arith.constant 0 : i32
    %dma_start3A_14 = tpu.memref_slice %arg4[%dma_start3A_13] : memref<320000xf32, #tpu.memory_space<hbm>> -> memref<6400xf32, #tpu.memory_space<hbm>>
    tpu.enqueue_dma source(%dma_start3A_14 : memref<6400xf32, #tpu.memory_space<hbm>>) target(%arg9 : memref<6400xf32, #tpu.memory_space<vmem>>) target_semaphore(%arg13 : memref<!tpu.dma_semaphore, #tpu.memory_space<semaphore_mem>>)
    %dma_start3A_15 = arith.constant 6400 : i32
    %dma_start3A_16 = tpu.memref_slice %arg3[%dma_start3A_15] : memref<320000xi32, #tpu.memory_space<hbm>> -> memref<6400xi32, #tpu.memory_space<hbm>>
    %dma_start3A_17 = arith.constant 6400 : i32
    %dma_start3A_18 = tpu.memref_slice %arg3[%dma_start3A_17] : memref<320000xi32, #tpu.memory_space<hbm>> -> memref<6400xi32, #tpu.memory_space<hbm>>
    tpu.enqueue_dma source(%dma_start3A_18 : memref<6400xi32, #tpu.memory_space<hbm>>) target(%arg10 : memref<6400xi32, #tpu.memory_space<vmem>>) target_semaphore(%arg14 : memref<!tpu.dma_semaphore, #tpu.memory_space<semaphore_mem>>)
    %dma_start3A_19 = arith.constant 6400 : i32
    %dma_start3A_20 = tpu.memref_slice %arg4[%dma_start3A_19] : memref<320000xf32, #tpu.memory_space<hbm>> -> memref<6400xf32, #tpu.memory_space<hbm>>
    %dma_start3A_21 = arith.constant 6400 : i32
    %dma_start3A_22 = tpu.memref_slice %arg4[%dma_start3A_21] : memref<320000xf32, #tpu.memory_space<hbm>> -> memref<6400xf32, #tpu.memory_space<hbm>>
    tpu.enqueue_dma source(%dma_start3A_22 : memref<6400xf32, #tpu.memory_space<hbm>>) target(%arg11 : memref<6400xf32, #tpu.memory_space<vmem>>) target_semaphore(%arg15 : memref<!tpu.dma_semaphore, #tpu.memory_space<semaphore_mem>>)
    %scan3A_23 = arith.constant 0 : i32
    %scan3A_24 = arith.constant 25 : i32
    %scan3A_25 = arith.addi %scan3A_23, %scan3A_24 : i32
    %scan3A_26 = arith.constant 1 : i32
    scf.for %scan3A_38 = %scan3A_23 to %scan3A_25 step %scan3A_26  : i32 {
      %mul3A_39 = arith.constant 2 : i32
      %mul3A_40 = arith.muli %scan3A_38, %mul3A_39 : i32
      %add3A_41 = arith.constant 0 : i32
      %add3A_42 = arith.addi %add3A_41, %mul3A_40 : i32
      %dma_wait3A = arith.constant 0 : i32
      %dma_wait3A_43 = tpu.memref_slice %arg3[%dma_wait3A] : memref<320000xi32, #tpu.memory_space<hbm>> -> memref<6400xi32, #tpu.memory_space<hbm>>
      %dma_wait3A_44 = arith.constant 0 : i32
      %dma_wait3A_45 = tpu.memref_slice %arg3[%dma_wait3A_44] : memref<320000xi32, #tpu.memory_space<hbm>> -> memref<6400xi32, #tpu.memory_space<hbm>>
      tpu.wait_dma2 semaphore(%arg12 : memref<!tpu.dma_semaphore, #tpu.memory_space<semaphore_mem>>) src(%dma_wait3A_45 : memref<6400xi32, #tpu.memory_space<hbm>>) dst(%arg8 : memref<6400xi32, #tpu.memory_space<vmem>>)
      %dma_wait3A_46 = arith.constant 0 : i32
      %dma_wait3A_47 = tpu.memref_slice %arg4[%dma_wait3A_46] : memref<320000xf32, #tpu.memory_space<hbm>> -> memref<6400xf32, #tpu.memory_space<hbm>>
      %dma_wait3A_48 = arith.constant 0 : i32
      %dma_wait3A_49 = tpu.memref_slice %arg4[%dma_wait3A_48] : memref<320000xf32, #tpu.memory_space<hbm>> -> memref<6400xf32, #tpu.memory_space<hbm>>
      tpu.wait_dma2 semaphore(%arg13 : memref<!tpu.dma_semaphore, #tpu.memory_space<semaphore_mem>>) src(%dma_wait3A_49 : memref<6400xf32, #tpu.memory_space<hbm>>) dst(%arg9 : memref<6400xf32, #tpu.memory_space<vmem>>)
      %parallel_loop3A = arith.constant 0 : i32
      %parallel_loop3A_50 = arith.constant 400 : i32
      %parallel_loop3A_51 = arith.constant 1 : i32
      scf.for %parallel_loop3A_74 = %parallel_loop3A to %parallel_loop3A_50 step %parallel_loop3A_51  : i32 {
        %parallel_loop3A_75 = arith.constant 16 : i32
        %parallel_loop3A_76 = arith.muli %parallel_loop3A_74, %parallel_loop3A_75 : i32
        %parallel_loop3A_77 = arith.index_cast %parallel_loop3A_76 : i32 to index
        %parallel_loop3A_78 = tpu.vector_load %arg8[%parallel_loop3A_77] {strides = array<i32>} : memref<6400xi32, #tpu.memory_space<vmem>>, vector<16xi32>,
        %parallel_loop3A_79 = arith.index_cast %parallel_loop3A_76 : i32 to index
        %parallel_loop3A_80 = tpu.vector_load %arg9[%parallel_loop3A_79] {strides = array<i32>} : memref<6400xf32, #tpu.memory_space<vmem>>, vector<16xf32>,
        %parallel_loop3A_81 = arith.constant 65535 : i32
        %parallel_loop3A_82 = vector.broadcast %parallel_loop3A_81 : i32 to vector<16xi32>
        %parallel_loop3A_83 = arith.andi %parallel_loop3A_78, %parallel_loop3A_82 : vector<16xi32>
        %parallel_loop3A_84 = arith.constant 16 : i32
        %parallel_loop3A_85 = vector.broadcast %parallel_loop3A_84 : i32 to vector<16xi32>
        %parallel_loop3A_86 = arith.shrui %parallel_loop3A_78, %parallel_loop3A_85 : vector<16xi32>
        %parallel_loop3A_87 = tpu.vector_load_idx %arg6[%parallel_loop3A_83] : memref<20000xi32, #tpu.memory_space<vmem>>[vector<16xi32>], vector<16xi32>,
        %parallel_loop3A_88 = arith.constant 16 : i32
        %parallel_loop3A_89 = vector.broadcast %parallel_loop3A_88 : i32 to vector<16xi32>
        %parallel_loop3A_90 = arith.shli %parallel_loop3A_87, %parallel_loop3A_89 : vector<16xi32>
        %parallel_loop3A_91 = vector.bitcast %parallel_loop3A_90 : vector<16xi32> to vector<16xf32>
        %parallel_loop3A_92 = arith.constant -65536 : i32
        %parallel_loop3A_93 = vector.broadcast %parallel_loop3A_92 : i32 to vector<16xi32>
        %parallel_loop3A_94 = arith.andi %parallel_loop3A_87, %parallel_loop3A_93 : vector<16xi32>
        %parallel_loop3A_95 = vector.bitcast %parallel_loop3A_94 : vector<16xi32> to vector<16xf32>
        %parallel_loop3A_96 = arith.mulf %parallel_loop3A_91, %parallel_loop3A_80 : vector<16xf32>
        tpu.vector_store_idx %arg7[%parallel_loop3A_86], %parallel_loop3A_96 {add = true} : memref<40000xf32, #tpu.memory_space<vmem>>[vector<16xi32>], vector<16xf32>,
        %parallel_loop3A_97 = arith.constant 20000 : i32
        %parallel_loop3A_98 = vector.broadcast %parallel_loop3A_97 : i32 to vector<16xi32>
        %parallel_loop3A_99 = arith.addi %parallel_loop3A_86, %parallel_loop3A_98 : vector<16xi32>
        %parallel_loop3A_100 = arith.mulf %parallel_loop3A_95, %parallel_loop3A_80 : vector<16xf32>
        tpu.vector_store_idx %arg7[%parallel_loop3A_99], %parallel_loop3A_100 {add = true} : memref<40000xf32, #tpu.memory_space<vmem>>[vector<16xi32>], vector<16xf32>,
        %parallel_loop3A_101 = arith.constant 10000 : i32
        %parallel_loop3A_102 = vector.broadcast %parallel_loop3A_101 : i32 to vector<16xi32>
        %parallel_loop3A_103 = arith.addi %parallel_loop3A_83, %parallel_loop3A_102 : vector<16xi32>
        %parallel_loop3A_104 = tpu.vector_load_idx %arg6[%parallel_loop3A_103] : memref<20000xi32, #tpu.memory_space<vmem>>[vector<16xi32>], vector<16xi32>,
        %parallel_loop3A_105 = arith.constant 16 : i32
        %parallel_loop3A_106 = vector.broadcast %parallel_loop3A_105 : i32 to vector<16xi32>
        %parallel_loop3A_107 = arith.shli %parallel_loop3A_104, %parallel_loop3A_106 : vector<16xi32>
        %parallel_loop3A_108 = vector.bitcast %parallel_loop3A_107 : vector<16xi32> to vector<16xf32>
        %parallel_loop3A_109 = arith.constant -65536 : i32
        %parallel_loop3A_110 = vector.broadcast %parallel_loop3A_109 : i32 to vector<16xi32>
        %parallel_loop3A_111 = arith.andi %parallel_loop3A_104, %parallel_loop3A_110 : vector<16xi32>
        %parallel_loop3A_112 = vector.bitcast %parallel_loop3A_111 : vector<16xi32> to vector<16xf32>
        %parallel_loop3A_113 = arith.constant 10000 : i32
        %parallel_loop3A_114 = vector.broadcast %parallel_loop3A_113 : i32 to vector<16xi32>
        %parallel_loop3A_115 = arith.addi %parallel_loop3A_86, %parallel_loop3A_114 : vector<16xi32>
        %parallel_loop3A_116 = arith.mulf %parallel_loop3A_108, %parallel_loop3A_80 : vector<16xf32>
        tpu.vector_store_idx %arg7[%parallel_loop3A_115], %parallel_loop3A_116 {add = true} : memref<40000xf32, #tpu.memory_space<vmem>>[vector<16xi32>], vector<16xf32>,
        %parallel_loop3A_117 = arith.constant 30000 : i32
        %parallel_loop3A_118 = vector.broadcast %parallel_loop3A_117 : i32 to vector<16xi32>
        %parallel_loop3A_119 = arith.addi %parallel_loop3A_86, %parallel_loop3A_118 : vector<16xi32>
        %parallel_loop3A_120 = arith.mulf %parallel_loop3A_112, %parallel_loop3A_80 : vector<16xf32>
        tpu.vector_store_idx %arg7[%parallel_loop3A_119], %parallel_loop3A_120 {add = true} : memref<40000xf32, #tpu.memory_space<vmem>>[vector<16xi32>], vector<16xf32>,
      } {sc.loop_unroll_factor = 1 : i64, sc.parallel_access}
      %add3A_52 = arith.constant 2 : i32
      %add3A_53 = arith.addi %add3A_42, %add3A_52 : i32
      %lt3A = arith.constant 50 : i32
      %lt3A_54 = arith.cmpi slt, %add3A_53, %lt3A : i32
      %convert_element_type3A = arith.extui %lt3A_54 : i1 to i32
      %cond3A = arith.constant 0 : i32
      %cond3A_55 = arith.cmpi ne, %convert_element_type3A, %cond3A : i32
      scf.if %cond3A_55 {
        %add3A_74 = arith.constant 2 : i32
        %add3A_75 = arith.addi %add3A_42, %add3A_74 : i32
        %mul3A_76 = arith.constant 6400 : i32
        %mul3A_77 = arith.muli %add3A_75, %mul3A_76 : i32
        %dma_start3A_78 = tpu.memref_slice %arg3[%mul3A_77] : memref<320000xi32, #tpu.memory_space<hbm>> -> memref<6400xi32, #tpu.memory_space<hbm>>
        %dma_start3A_79 = tpu.memref_slice %arg3[%mul3A_77] : memref<320000xi32, #tpu.memory_space<hbm>> -> memref<6400xi32, #tpu.memory_space<hbm>>
        tpu.enqueue_dma source(%dma_start3A_79 : memref<6400xi32, #tpu.memory_space<hbm>>) target(%arg8 : memref<6400xi32, #tpu.memory_space<vmem>>) target_semaphore(%arg12 : memref<!tpu.dma_semaphore, #tpu.memory_space<semaphore_mem>>)
        %dma_start3A_80 = tpu.memref_slice %arg4[%mul3A_77] : memref<320000xf32, #tpu.memory_space<hbm>> -> memref<6400xf32, #tpu.memory_space<hbm>>
        %dma_start3A_81 = tpu.memref_slice %arg4[%mul3A_77] : memref<320000xf32, #tpu.memory_space<hbm>> -> memref<6400xf32, #tpu.memory_space<hbm>>
        tpu.enqueue_dma source(%dma_start3A_81 : memref<6400xf32, #tpu.memory_space<hbm>>) target(%arg9 : memref<6400xf32, #tpu.memory_space<vmem>>) target_semaphore(%arg13 : memref<!tpu.dma_semaphore, #tpu.memory_space<semaphore_mem>>)
      } else {
      }
      %dma_wait3A_56 = arith.constant 0 : i32
      %dma_wait3A_57 = tpu.memref_slice %arg3[%dma_wait3A_56] : memref<320000xi32, #tpu.memory_space<hbm>> -> memref<6400xi32, #tpu.memory_space<hbm>>
      %dma_wait3A_58 = arith.constant 0 : i32
      %dma_wait3A_59 = tpu.memref_slice %arg3[%dma_wait3A_58] : memref<320000xi32, #tpu.memory_space<hbm>> -> memref<6400xi32, #tpu.memory_space<hbm>>
      tpu.wait_dma2 semaphore(%arg14 : memref<!tpu.dma_semaphore, #tpu.memory_space<semaphore_mem>>) src(%dma_wait3A_59 : memref<6400xi32, #tpu.memory_space<hbm>>) dst(%arg10 : memref<6400xi32, #tpu.memory_space<vmem>>)
      %dma_wait3A_60 = arith.constant 0 : i32
      %dma_wait3A_61 = tpu.memref_slice %arg4[%dma_wait3A_60] : memref<320000xf32, #tpu.memory_space<hbm>> -> memref<6400xf32, #tpu.memory_space<hbm>>
      %dma_wait3A_62 = arith.constant 0 : i32
      %dma_wait3A_63 = tpu.memref_slice %arg4[%dma_wait3A_62] : memref<320000xf32, #tpu.memory_space<hbm>> -> memref<6400xf32, #tpu.memory_space<hbm>>
      tpu.wait_dma2 semaphore(%arg15 : memref<!tpu.dma_semaphore, #tpu.memory_space<semaphore_mem>>) src(%dma_wait3A_63 : memref<6400xf32, #tpu.memory_space<hbm>>) dst(%arg11 : memref<6400xf32, #tpu.memory_space<vmem>>)
      %parallel_loop3A_64 = arith.constant 0 : i32
      %parallel_loop3A_65 = arith.constant 400 : i32
      %parallel_loop3A_66 = arith.constant 1 : i32
      scf.for %parallel_loop3A_74 = %parallel_loop3A_64 to %parallel_loop3A_65 step %parallel_loop3A_66  : i32 {
        %parallel_loop3A_75 = arith.constant 16 : i32
        %parallel_loop3A_76 = arith.muli %parallel_loop3A_74, %parallel_loop3A_75 : i32
        %parallel_loop3A_77 = arith.index_cast %parallel_loop3A_76 : i32 to index
        %parallel_loop3A_78 = tpu.vector_load %arg10[%parallel_loop3A_77] {strides = array<i32>} : memref<6400xi32, #tpu.memory_space<vmem>>, vector<16xi32>,
        %parallel_loop3A_79 = arith.index_cast %parallel_loop3A_76 : i32 to index
        %parallel_loop3A_80 = tpu.vector_load %arg11[%parallel_loop3A_79] {strides = array<i32>} : memref<6400xf32, #tpu.memory_space<vmem>>, vector<16xf32>,
        %parallel_loop3A_81 = arith.constant 65535 : i32
        %parallel_loop3A_82 = vector.broadcast %parallel_loop3A_81 : i32 to vector<16xi32>
        %parallel_loop3A_83 = arith.andi %parallel_loop3A_78, %parallel_loop3A_82 : vector<16xi32>
        %parallel_loop3A_84 = arith.constant 16 : i32
        %parallel_loop3A_85 = vector.broadcast %parallel_loop3A_84 : i32 to vector<16xi32>
        %parallel_loop3A_86 = arith.shrui %parallel_loop3A_78, %parallel_loop3A_85 : vector<16xi32>
        %parallel_loop3A_87 = tpu.vector_load_idx %arg6[%parallel_loop3A_83] : memref<20000xi32, #tpu.memory_space<vmem>>[vector<16xi32>], vector<16xi32>,
        %parallel_loop3A_88 = arith.constant 16 : i32
        %parallel_loop3A_89 = vector.broadcast %parallel_loop3A_88 : i32 to vector<16xi32>
        %parallel_loop3A_90 = arith.shli %parallel_loop3A_87, %parallel_loop3A_89 : vector<16xi32>
        %parallel_loop3A_91 = vector.bitcast %parallel_loop3A_90 : vector<16xi32> to vector<16xf32>
        %parallel_loop3A_92 = arith.constant -65536 : i32
        %parallel_loop3A_93 = vector.broadcast %parallel_loop3A_92 : i32 to vector<16xi32>
        %parallel_loop3A_94 = arith.andi %parallel_loop3A_87, %parallel_loop3A_93 : vector<16xi32>
        %parallel_loop3A_95 = vector.bitcast %parallel_loop3A_94 : vector<16xi32> to vector<16xf32>
        %parallel_loop3A_96 = arith.mulf %parallel_loop3A_91, %parallel_loop3A_80 : vector<16xf32>
        tpu.vector_store_idx %arg7[%parallel_loop3A_86], %parallel_loop3A_96 {add = true} : memref<40000xf32, #tpu.memory_space<vmem>>[vector<16xi32>], vector<16xf32>,
        %parallel_loop3A_97 = arith.constant 20000 : i32
        %parallel_loop3A_98 = vector.broadcast %parallel_loop3A_97 : i32 to vector<16xi32>
        %parallel_loop3A_99 = arith.addi %parallel_loop3A_86, %parallel_loop3A_98 : vector<16xi32>
        %parallel_loop3A_100 = arith.mulf %parallel_loop3A_95, %parallel_loop3A_80 : vector<16xf32>
        tpu.vector_store_idx %arg7[%parallel_loop3A_99], %parallel_loop3A_100 {add = true} : memref<40000xf32, #tpu.memory_space<vmem>>[vector<16xi32>], vector<16xf32>,
        %parallel_loop3A_101 = arith.constant 10000 : i32
        %parallel_loop3A_102 = vector.broadcast %parallel_loop3A_101 : i32 to vector<16xi32>
        %parallel_loop3A_103 = arith.addi %parallel_loop3A_83, %parallel_loop3A_102 : vector<16xi32>
        %parallel_loop3A_104 = tpu.vector_load_idx %arg6[%parallel_loop3A_103] : memref<20000xi32, #tpu.memory_space<vmem>>[vector<16xi32>], vector<16xi32>,
        %parallel_loop3A_105 = arith.constant 16 : i32
        %parallel_loop3A_106 = vector.broadcast %parallel_loop3A_105 : i32 to vector<16xi32>
        %parallel_loop3A_107 = arith.shli %parallel_loop3A_104, %parallel_loop3A_106 : vector<16xi32>
        %parallel_loop3A_108 = vector.bitcast %parallel_loop3A_107 : vector<16xi32> to vector<16xf32>
        %parallel_loop3A_109 = arith.constant -65536 : i32
        %parallel_loop3A_110 = vector.broadcast %parallel_loop3A_109 : i32 to vector<16xi32>
        %parallel_loop3A_111 = arith.andi %parallel_loop3A_104, %parallel_loop3A_110 : vector<16xi32>
        %parallel_loop3A_112 = vector.bitcast %parallel_loop3A_111 : vector<16xi32> to vector<16xf32>
        %parallel_loop3A_113 = arith.constant 10000 : i32
        %parallel_loop3A_114 = vector.broadcast %parallel_loop3A_113 : i32 to vector<16xi32>
        %parallel_loop3A_115 = arith.addi %parallel_loop3A_86, %parallel_loop3A_114 : vector<16xi32>
        %parallel_loop3A_116 = arith.mulf %parallel_loop3A_108, %parallel_loop3A_80 : vector<16xf32>
        tpu.vector_store_idx %arg7[%parallel_loop3A_115], %parallel_loop3A_116 {add = true} : memref<40000xf32, #tpu.memory_space<vmem>>[vector<16xi32>], vector<16xf32>,
        %parallel_loop3A_117 = arith.constant 30000 : i32
        %parallel_loop3A_118 = vector.broadcast %parallel_loop3A_117 : i32 to vector<16xi32>
        %parallel_loop3A_119 = arith.addi %parallel_loop3A_86, %parallel_loop3A_118 : vector<16xi32>
        %parallel_loop3A_120 = arith.mulf %parallel_loop3A_112, %parallel_loop3A_80 : vector<16xf32>
        tpu.vector_store_idx %arg7[%parallel_loop3A_119], %parallel_loop3A_120 {add = true} : memref<40000xf32, #tpu.memory_space<vmem>>[vector<16xi32>], vector<16xf32>,
      } {sc.loop_unroll_factor = 1 : i64, sc.parallel_access}
      %add3A_67 = arith.constant 3 : i32
      %add3A_68 = arith.addi %add3A_42, %add3A_67 : i32
      %lt3A_69 = arith.constant 50 : i32
      %lt3A_70 = arith.cmpi slt, %add3A_68, %lt3A_69 : i32
      %convert_element_type3A_71 = arith.extui %lt3A_70 : i1 to i32
      %cond3A_72 = arith.constant 0 : i32
      %cond3A_73 = arith.cmpi ne, %convert_element_type3A_71, %cond3A_72 : i32
      scf.if %cond3A_73 {
        %add3A_74 = arith.constant 3 : i32
        %add3A_75 = arith.addi %add3A_42, %add3A_74 : i32
        %mul3A_76 = arith.constant 6400 : i32
        %mul3A_77 = arith.muli %add3A_75, %mul3A_76 : i32
        %dma_start3A_78 = tpu.memref_slice %arg3[%mul3A_77] : memref<320000xi32, #tpu.memory_space<hbm>> -> memref<6400xi32, #tpu.memory_space<hbm>>
        %dma_start3A_79 = tpu.memref_slice %arg3[%mul3A_77] : memref<320000xi32, #tpu.memory_space<hbm>> -> memref<6400xi32, #tpu.memory_space<hbm>>
        tpu.enqueue_dma source(%dma_start3A_79 : memref<6400xi32, #tpu.memory_space<hbm>>) target(%arg10 : memref<6400xi32, #tpu.memory_space<vmem>>) target_semaphore(%arg14 : memref<!tpu.dma_semaphore, #tpu.memory_space<semaphore_mem>>)
        %dma_start3A_80 = tpu.memref_slice %arg4[%mul3A_77] : memref<320000xf32, #tpu.memory_space<hbm>> -> memref<6400xf32, #tpu.memory_space<hbm>>
        %dma_start3A_81 = tpu.memref_slice %arg4[%mul3A_77] : memref<320000xf32, #tpu.memory_space<hbm>> -> memref<6400xf32, #tpu.memory_space<hbm>>
        tpu.enqueue_dma source(%dma_start3A_81 : memref<6400xf32, #tpu.memory_space<hbm>>) target(%arg11 : memref<6400xf32, #tpu.memory_space<vmem>>) target_semaphore(%arg15 : memref<!tpu.dma_semaphore, #tpu.memory_space<semaphore_mem>>)
      } else {
      }
    }
    %scan3A_27 = arith.constant 25 : i32
    %mul3A_28 = arith.constant 2 : i32
    %mul3A_29 = arith.muli %mul3A_28, %add3A : i32
    %mul3A_30 = arith.constant 10000 : i32
    %mul3A_31 = arith.muli %mul3A_29, %mul3A_30 : i32
    "tpu.region"() ({
      %run_scoped3A = tpu.sem_alloc : memref<!tpu.dma_semaphore, #tpu.memory_space<semaphore_mem>>
      %dma_start3A_38 = arith.constant 0 : i32
      %dma_start3A_39 = tpu.memref_slice %arg7[%dma_start3A_38] : memref<40000xf32, #tpu.memory_space<vmem>> -> memref<20000xf32, #tpu.memory_space<vmem>>
      %dma_start3A_40 = tpu.memref_slice %arg5[%mul3A_31] : memref<1280000xf32, #tpu.memory_space<hbm>> -> memref<20000xf32, #tpu.memory_space<hbm>>
      %dma_start3A_41 = tpu.memref_slice %arg5[%mul3A_31] : memref<1280000xf32, #tpu.memory_space<hbm>> -> memref<20000xf32, #tpu.memory_space<hbm>>
      %dma_start3A_42 = arith.constant 0 : i32
      %dma_start3A_43 = tpu.memref_slice %arg7[%dma_start3A_42] : memref<40000xf32, #tpu.memory_space<vmem>> -> memref<20000xf32, #tpu.memory_space<vmem>>
      tpu.enqueue_dma source(%dma_start3A_43 : memref<20000xf32, #tpu.memory_space<vmem>>) target(%dma_start3A_41 : memref<20000xf32, #tpu.memory_space<hbm>>) target_semaphore(%run_scoped3A : memref<!tpu.dma_semaphore, #tpu.memory_space<semaphore_mem>>)
      %dma_wait3A = arith.constant 0 : i32
      %dma_wait3A_44 = tpu.memref_slice %arg7[%dma_wait3A] : memref<40000xf32, #tpu.memory_space<vmem>> -> memref<20000xf32, #tpu.memory_space<vmem>>
      %dma_wait3A_45 = tpu.memref_slice %arg5[%mul3A_31] : memref<1280000xf32, #tpu.memory_space<hbm>> -> memref<20000xf32, #tpu.memory_space<hbm>>
      %dma_wait3A_46 = tpu.memref_slice %arg5[%mul3A_31] : memref<1280000xf32, #tpu.memory_space<hbm>> -> memref<20000xf32, #tpu.memory_space<hbm>>
      %dma_wait3A_47 = arith.constant 0 : i32
      %dma_wait3A_48 = tpu.memref_slice %arg7[%dma_wait3A_47] : memref<40000xf32, #tpu.memory_space<vmem>> -> memref<20000xf32, #tpu.memory_space<vmem>>
      tpu.wait_dma2 semaphore(%run_scoped3A : memref<!tpu.dma_semaphore, #tpu.memory_space<semaphore_mem>>) src(%dma_wait3A_48 : memref<20000xf32, #tpu.memory_space<vmem>>) dst(%dma_wait3A_46 : memref<20000xf32, #tpu.memory_space<hbm>>)
      tpu.yield
    }) : () -> ()
    %mul3A_32 = arith.constant 2 : i32
    %mul3A_33 = arith.muli %mul3A_32, %add3A : i32
    %add3A_34 = arith.constant 64 : i32
    %add3A_35 = arith.addi %add3A_34, %mul3A_33 : i32
    %mul3A_36 = arith.constant 10000 : i32
    %mul3A_37 = arith.muli %add3A_35, %mul3A_36 : i32
    "tpu.region"() ({
      %run_scoped3A = tpu.sem_alloc : memref<!tpu.dma_semaphore, #tpu.memory_space<semaphore_mem>>
      %dma_start3A_38 = arith.constant 20000 : i32
      %dma_start3A_39 = tpu.memref_slice %arg7[%dma_start3A_38] : memref<40000xf32, #tpu.memory_space<vmem>> -> memref<20000xf32, #tpu.memory_space<vmem>>
      %dma_start3A_40 = tpu.memref_slice %arg5[%mul3A_37] : memref<1280000xf32, #tpu.memory_space<hbm>> -> memref<20000xf32, #tpu.memory_space<hbm>>
      %dma_start3A_41 = tpu.memref_slice %arg5[%mul3A_37] : memref<1280000xf32, #tpu.memory_space<hbm>> -> memref<20000xf32, #tpu.memory_space<hbm>>
      %dma_start3A_42 = arith.constant 20000 : i32
      %dma_start3A_43 = tpu.memref_slice %arg7[%dma_start3A_42] : memref<40000xf32, #tpu.memory_space<vmem>> -> memref<20000xf32, #tpu.memory_space<vmem>>
      tpu.enqueue_dma source(%dma_start3A_43 : memref<20000xf32, #tpu.memory_space<vmem>>) target(%dma_start3A_41 : memref<20000xf32, #tpu.memory_space<hbm>>) target_semaphore(%run_scoped3A : memref<!tpu.dma_semaphore, #tpu.memory_space<semaphore_mem>>)
      %dma_wait3A = arith.constant 20000 : i32
      %dma_wait3A_44 = tpu.memref_slice %arg7[%dma_wait3A] : memref<40000xf32, #tpu.memory_space<vmem>> -> memref<20000xf32, #tpu.memory_space<vmem>>
      %dma_wait3A_45 = tpu.memref_slice %arg5[%mul3A_37] : memref<1280000xf32, #tpu.memory_space<hbm>> -> memref<20000xf32, #tpu.memory_space<hbm>>
      %dma_wait3A_46 = tpu.memref_slice %arg5[%mul3A_37] : memref<1280000xf32, #tpu.memory_space<hbm>> -> memref<20000xf32, #tpu.memory_space<hbm>>
      %dma_wait3A_47 = arith.constant 20000 : i32
      %dma_wait3A_48 = tpu.memref_slice %arg7[%dma_wait3A_47] : memref<40000xf32, #tpu.memory_space<vmem>> -> memref<20000xf32, #tpu.memory_space<vmem>>
      tpu.wait_dma2 semaphore(%run_scoped3A : memref<!tpu.dma_semaphore, #tpu.memory_space<semaphore_mem>>) src(%dma_wait3A_48 : memref<20000xf32, #tpu.memory_space<vmem>>) dst(%dma_wait3A_46 : memref<20000xf32, #tpu.memory_space<hbm>>)
      tpu.yield
    }) : () -> ()
    return
  }
}

module attributes {stable_mosaic.version = 14 : i64} {
  func.func @_pack_body(%arg0: memref<128x128xf32, #tpu.memory_space<vmem>>, %arg1: memref<10000x128xf32, #tpu.memory_space<vmem>>, %arg2: memref<5000x128xi32, #tpu.memory_space<vmem>>, %arg3: memref<64x10000xi32, #tpu.memory_space<vmem>>, %arg4: memref<2500x128xi32, #tpu.memory_space<vmem>>) attributes {dimension_semantics = [], scalar_prefetch = 0 : i64, scratch_operands = 0 : i64, tpu.core_type = #tpu.core_type<tc>} {
    %get3A = arith.constant 0 : index
    %get3A_0 = arith.constant 0 : index
    %get3A_1 = vector.load %arg0[%get3A, %get3A_0] : memref<128x128xf32, #tpu.memory_space<vmem>>, vector<128x128xf32>
    %get3A_2 = arith.constant 0 : index
    %get3A_3 = arith.constant 0 : index
    %get3A_4 = vector.load %arg1[%get3A_2, %get3A_3] : memref<10000x128xf32, #tpu.memory_space<vmem>>, vector<10000x128xf32>
    %dot_general3A = arith.constant dense<0.000000e+00> : vector<128x10000xf32>
    %dot_general3A_5 = tpu.matmul %get3A_1, %get3A_4, %dot_general3A {dimension_numbers = #tpu.dot_dimension_numbers<[1], [1], [0], [0], [0, 0, 1, 0], [], []>, transpose_lhs_hint = false} : vector<128x128xf32>, vector<10000x128xf32>, vector<128x10000xf32> -> vector<128x10000xf32>
    %slice3A = vector.extract_strided_slice %dot_general3A_5 {offsets = [0, 0], sizes = [64, 10000], strides = [1, 1]} : vector<128x10000xf32> to vector<64x10000xf32>
    %convert_element_type3A = arith.truncf %slice3A : vector<64x10000xf32> to vector<64x10000xbf16>
    %bitcast_convert_type3A = tpu.bitcast %convert_element_type3A : vector<64x10000xbf16> -> vector<64x10000xi16>
    %convert_element_type3A_6 = arith.extui %bitcast_convert_type3A : vector<64x10000xi16> to vector<64x10000xi32>
    %slice3A_7 = vector.extract_strided_slice %dot_general3A_5 {offsets = [64, 0], sizes = [64, 10000], strides = [1, 1]} : vector<128x10000xf32> to vector<64x10000xf32>
    %convert_element_type3A_8 = arith.truncf %slice3A_7 : vector<64x10000xf32> to vector<64x10000xbf16>
    %bitcast_convert_type3A_9 = tpu.bitcast %convert_element_type3A_8 : vector<64x10000xbf16> -> vector<64x10000xi16>
    %convert_element_type3A_10 = arith.extui %bitcast_convert_type3A_9 : vector<64x10000xi16> to vector<64x10000xi32>
    %shift_left3A = arith.constant 16 : i32
    %shift_left3A_11 = vector.broadcast %shift_left3A : i32 to vector<64x10000xi32>
    %shift_left3A_12 = arith.shli %convert_element_type3A_10, %shift_left3A_11 : vector<64x10000xi32>
    %or3A = arith.ori %convert_element_type3A_6, %shift_left3A_12 : vector<64x10000xi32>
    %bitcast_convert_type3A_13 = tpu.bitcast %or3A : vector<64x10000xi32> -> vector<64x10000xi32>
    %swap3A = arith.constant 0 : index
    %swap3A_14 = arith.constant 0 : index
    %swap3A_15 = vector.load %arg3[%swap3A, %swap3A_14] : memref<64x10000xi32, #tpu.memory_space<vmem>>, vector<64x10000xi32>
    tpu.vector_store %arg3[%swap3A, %swap3A_14], %bitcast_convert_type3A_13 {strides = array<i32>} : memref<64x10000xi32, #tpu.memory_space<vmem>>, vector<64x10000xi32>,
    %get3A_16 = arith.constant 0 : index
    %get3A_17 = arith.constant 0 : index
    %get3A_18 = vector.load %arg2[%get3A_16, %get3A_17] : memref<5000x128xi32, #tpu.memory_space<vmem>>, vector<5000x128xi32>
    %slice3A_19 = vector.extract_strided_slice %get3A_18 {offsets = [0, 0], sizes = [2500, 128], strides = [1, 1]} : vector<5000x128xi32> to vector<2500x128xi32>
    %slice3A_20 = vector.extract_strided_slice %get3A_18 {offsets = [2500, 0], sizes = [2500, 128], strides = [1, 1]} : vector<5000x128xi32> to vector<2500x128xi32>
    %shift_left3A_21 = arith.constant 16 : i32
    %shift_left3A_22 = vector.broadcast %shift_left3A_21 : i32 to vector<2500x128xi32>
    %shift_left3A_23 = arith.shli %slice3A_20, %shift_left3A_22 : vector<2500x128xi32>
    %or3A_24 = arith.ori %slice3A_19, %shift_left3A_23 : vector<2500x128xi32>
    %swap3A_25 = arith.constant 0 : index
    %swap3A_26 = arith.constant 0 : index
    %swap3A_27 = vector.load %arg4[%swap3A_25, %swap3A_26] : memref<2500x128xi32, #tpu.memory_space<vmem>>, vector<2500x128xi32>
    tpu.vector_store %arg4[%swap3A_25, %swap3A_26], %or3A_24 {strides = array<i32>} : memref<2500x128xi32, #tpu.memory_space<vmem>>, vector<2500x128xi32>,
    return
  }
}

module attributes {stable_mosaic.version = 14 : i64} {
  func.func @_out_body(%arg0: memref<128x10000xf32, #tpu.memory_space<vmem>>, %arg1: memref<128x128xf32, #tpu.memory_space<vmem>>, %arg2: memref<128xf32, #tpu.memory_space<vmem>>, %arg3: memref<10000x128xf32, #tpu.memory_space<vmem>>) attributes {dimension_semantics = [], scalar_prefetch = 0 : i64, scratch_operands = 0 : i64, tpu.core_type = #tpu.core_type<tc>} {
    %get3A = arith.constant 0 : index
    %get3A_0 = arith.constant 0 : index
    %get3A_1 = vector.load %arg0[%get3A, %get3A_0] : memref<128x10000xf32, #tpu.memory_space<vmem>>, vector<128x10000xf32>
    %get3A_2 = arith.constant 0 : index
    %get3A_3 = arith.constant 0 : index
    %get3A_4 = vector.load %arg1[%get3A_2, %get3A_3] : memref<128x128xf32, #tpu.memory_space<vmem>>, vector<128x128xf32>
    %dot_general3A = arith.constant dense<0.000000e+00> : vector<10000x128xf32>
    %dot_general3A_5 = tpu.matmul %get3A_1, %get3A_4, %dot_general3A {dimension_numbers = #tpu.dot_dimension_numbers<[0], [0], [1], [1], [0, 1, 1, 1], [], []>, transpose_lhs_hint = false} : vector<128x10000xf32>, vector<128x128xf32>, vector<10000x128xf32> -> vector<10000x128xf32>
    %get3A_6 = arith.constant 0 : index
    %get3A_7 = vector.load %arg2[%get3A_6] : memref<128xf32, #tpu.memory_space<vmem>>, vector<128xf32>
    %broadcast_in_dim3A = vector.shape_cast %get3A_7 : vector<128xf32> to vector<1x128xf32>
    %add3A = vector.broadcast %broadcast_in_dim3A : vector<1x128xf32> to vector<10000x128xf32>
    %add3A_8 = arith.addf %dot_general3A_5, %add3A : vector<10000x128xf32>
    %swap3A = arith.constant 0 : index
    %swap3A_9 = arith.constant 0 : index
    %swap3A_10 = vector.load %arg3[%swap3A, %swap3A_9] : memref<10000x128xf32, #tpu.memory_space<vmem>>, vector<10000x128xf32>
    tpu.vector_store %arg3[%swap3A, %swap3A_9], %add3A_8 {strides = array<i32>} : memref<10000x128xf32, #tpu.memory_space<vmem>>, vector<10000x128xf32>,
    return
  }
}

</mosaic_0001>

<sc_bundles>
// kernel: kernel.5.cloned.1.call-start
scs
__scs_entry_jumppad:
0x0: {  	(pc) =	sbr.rel $0x88, $3  }
0x1: {  	(tag) =	ssettag $0x0;
	lr =	simm.s32 $0x1  }
0x2: {  	[smem:$0x3F9C] =	sst lr;
	_ =	strace $0xD0000000  }
0x3: {  	_ = 	snop  }
0x4: {  	_ = 	snop  }
0x5: {  	_ = 	snop  }
0x6: {  	_ = 	snop  }
0x7: {  	_ = 	snop  }
__scs_overlays_trampoline_lowered:
0x8: {  	[smem:$0x3FAB] =	sst s0  }
0x9: {  	[smem:$0x3FAC] =	sst s1  }
0xa: {  	[smem:$0x3FAD] =	sst s2  }
0xb: {  	[smem:$0x3FAE] =	sst s3  }
0xc: {  	[smem:$0x3FAF] =	sst s4  }
0xd: {  	[smem:$0x3FB0] =	sst s5  }
0xe: {  	[smem:$0x3FB1] =	sst s6  }
0xf: {  	[smem:$0x3FB2] =	sst s7  }
0x10: {  	[smem:$0x3FB3] =	sst s8  }
0x11: {  	[smem:$0x3FB4] =	sst s9;
	s0 =	simm.s32 @!p0 $0x0  }
0x12: {  	s1 =	sld [smem:$0x3F9A];
	s0 =	simm.s32 @p0 $0x1  }
0x13: {  	[smem:$0x3FB5] =	sst s0;
	s0 =	simm.s32 @!p1 $0x0  }
0x14: {  	s2 =	sld [smem:$0x3F99];
	s0 =	simm.s32 @p1 $0x1  }
0x15: {  	[smem:$0x3FB6] =	sst s0;
	s0 =	simm.s32 @!p2 $0x0  }
0x16: {  	s3 =	sld [smem:$0x3FDB];
	s0 =	simm.s32 @p2 $0x1  }
0x17: {  	s4 =	simm.s32 $0x1BF5;
	[smem:$0x3FB8] =	sst s0  }
0x18: {  	s0 =	sld [smem:$0x3F9B];
	_ =	swait.ge [sflag:s4], $0x0  }
0x19: {  	s7 =	sld [smem:$0x3F9C]  }
0x1a: {  	s8 =	sadd.s32 $0xFFFFE003, lr  }
0x1b: {  	s9 =	sadd.s32 $0xFFFFFEF7, lr;
	s5 =	simm.s32 $0xFFFFFFFF;
	p2 =	slt.u32 s8, $0xFFFFF086  }
0x1c: {  	p1 =	slt.u32 s9, $0xF7A;
	s5 =	simm.s32 @!p2 $0x0  }
0x1d: {  	s5 =	simm.s32 @p1 $0x1;
	p0 =	seq.s32 s7, s2  }
0x1e: {  	s7 =	smul.u32 @!p0 $0xF7A, s2;
	p2 =	seq.s32 @!p0 s5, $0x0  }
0x1f: {  	s9 =	smul.u32 $0xF7A, s1;
	s8 =	simm.s32 @!p0 $0x1BF5;
	p2 =	por !p2, p0  }
0x20: {  	[sflag:s8] =	ssyncset.s32 @!p0 $0xFFFFF086;
	s6 =	sadd.s32 @!p0 s3, s7;
	s7 =	simm.s32 @!p0 $0x108  }
0x21: {  	s3 =	sadd.s32 s3, s9;
	s6 =	sadd.s32 @!p0 $0x88, s6;
	s7 =	simm.s32 @p2 $0x1082  }
0x22: {  	[simem:s7], [sflag:s8] =	dma.local @!p0 [hbm:s6], $0xF7A  }
0x23: {  	s9 =	sor.u32 $0xD0000000, s2;
	s6 =	simm.s32 $0x108;
	_ =	swait.ge @!p0 [sflag:s8], $0x0  }
0x24: {  	s3 =	sadd.s32 $0x88, s3;
	s6 =	simm.s32 @!p1 $0x1082;
	[sflag:s4] =	ssyncset.s32 $0xFFFFF086  }
0x25: {  	[simem:s6], [sflag:s4] =	dma.local [hbm:s3], $0xF7A  }
0x26: {  	[smem:$0x3F9C] =	sst s1;
	(tag) =	ssettag s2;
	_ =	strace s9  }
0x27: {  	s1 =	sld [smem:$0x3FAC]  }
0x28: {  	s2 =	sld [smem:$0x3FAD]  }
0x29: {  	s4 =	sld [smem:$0x3FAF]  }
0x2a: {  	p0 =	seq.s32 s5, $0x0;
	s5 =	sld [smem:$0x3FB0]  }
0x2b: {  	s6 =	sld [smem:$0x3FB1]  }
0x2c: {  	s7 =	sld [smem:$0x3FB2]  }
0x2d: {  	s3 =	simm.s32 $0x108;
	s8 =	sld [smem:$0x3FB3]  }
0x2e: {  	s3 =	simm.s32 @!p0 $0x1082;
	s9 =	sld [smem:$0x3FB4]  }
0x2f: {  	lr =	sadd.s32 s0, s3;
	s0 =	sld [smem:$0x3FAB]  }
0x30: {  	s3 =	sld [smem:$0x3FAE]  }
0x31: {  	[smem:$0x3FB7] =	sst s10  }
0x32: {  	s10 =	sld [smem:$0x3FB5];
	_ =	sdelay $0x3  }
0x33: {  	p0 =	seq.s32 s10, $0x1;
	s10 =	sld [smem:$0x3FB7];
	_ =	sdelay $0x3  }
0x34: {  	[smem:$0x3FB7] =	sst s10  }
0x35: {  	s10 =	sld [smem:$0x3FB6];
	_ =	sdelay $0x3  }
0x36: {  	p1 =	seq.s32 s10, $0x1;
	s10 =	sld [smem:$0x3FB7];
	_ =	sdelay $0x3  }
0x37: {  	[smem:$0x3FB7] =	sst s10  }
0x38: {  	s10 =	sld [smem:$0x3FB8]  }
0x39: {  	_ = 	snop;
	(pc) =	sbr.ind lr, $3  }
0x3a: {  	_ = 	snop  }
0x3b: {  	_ = 	snop  }
0x3c: {  	p2 =	seq.s32 s10, $0x1;
	s10 =	sld [smem:$0x3FB7]  }
0x3d: {  	_ =	shalt  }
0x3e: {  	_ =	shalt  }
0x3f: {  	_ =	shalt  }
0x40: {  	_ =	shalt  }
0x41: {  	_ =	shalt  }
0x42: {  	_ =	shalt  }
0x43: {  	_ =	shalt  }
0x44: {  	_ =	shalt  }
0x45: {  	_ =	shalt  }
0x46: {  	_ =	shalt  }
0x47: {  	_ =	shalt  }
0x48: {  	_ =	shalt  }
0x49: {  	_ =	shalt  }
0x4a: {  	_ =	shalt  }
0x4b: {  	_ =	shalt  }
0x4c: {  	_ =	shalt  }
0x4d: {  	_ =	shalt  }
0x4e: {  	_ =	shalt  }
0x4f: {  	_ =	shalt  }
0x50: {  	_ =	shalt  }
0x51: {  	_ =	shalt  }
0x52: {  	_ =	shalt  }
0x53: {  	_ =	shalt  }
0x54: {  	_ =	shalt  }
0x55: {  	_ =	shalt  }
0x56: {  	_ =	shalt  }
0x57: {  	_ =	shalt  }
0x58: {  	_ =	shalt  }
0x59: {  	_ =	shalt  }
0x5a: {  	_ =	shalt  }
0x5b: {  	_ =	shalt  }
0x5c: {  	_ =	shalt  }
0x5d: {  	_ =	shalt  }
0x5e: {  	_ =	shalt  }
0x5f: {  	_ =	shalt  }
0x60: {  	_ =	shalt  }
0x61: {  	_ =	shalt  }
0x62: {  	_ =	shalt  }
0x63: {  	_ =	shalt  }
0x64: {  	_ =	shalt  }
0x65: {  	_ =	shalt  }
0x66: {  	_ =	shalt  }
0x67: {  	_ =	shalt  }
0x68: {  	_ =	shalt  }
0x69: {  	_ =	shalt  }
0x6a: {  	_ =	shalt  }
0x6b: {  	_ =	shalt  }
0x6c: {  	_ =	shalt  }
0x6d: {  	_ =	shalt  }
0x6e: {  	_ =	shalt  }
0x6f: {  	_ =	shalt  }
0x70: {  	_ =	shalt  }
0x71: {  	_ =	shalt  }
0x72: {  	_ =	shalt  }
0x73: {  	_ =	shalt  }
0x74: {  	_ =	shalt  }
0x75: {  	_ =	shalt  }
0x76: {  	_ =	shalt  }
0x77: {  	_ =	shalt  }
0x78: {  	_ =	shalt  }
0x79: {  	_ =	shalt  }
0x7a: {  	_ =	shalt  }
0x7b: {  	_ =	shalt  }
0x7c: {  	_ =	shalt  }
0x7d: {  	_ =	shalt  }
0x7e: {  	_ =	shalt  }
0x7f: {  	_ =	shalt  }
0x80: {  	_ =	shalt  }
0x81: {  	_ =	shalt  }
0x82: {  	_ =	shalt  }
0x83: {  	_ =	shalt  }
0x84: {  	_ =	shalt  }
0x85: {  	_ =	shalt  }
0x86: {  	_ =	shalt  }
0x87: {  	_ =	shalt  }
.Lfunc_end0:
.L_simem_size_0:
called_computation_lowered:
.L_overlay_start_0:
0x88: {  	s2 =	sld [smem:$0x3FD9]  }
0x89: {  	s3 =	sld [smem:$0x3FFE];
	_ =	sdelay $0x1  }
0x8a: {  	s1 =	srdreg.scid  }
0x8b: {  	s0 =	sand.u32 $0x1, s1  }
0x8c: {  	s17 =	sshll.u32 s0, $0xA;
	s2 =	sadd.s32 s3, s2  }
0x8d: {  	s2 =	sadd.s32 s2, s17  }
0x8e: {  	[smem:$0x3FC3] =	sst s2  }
0x8f: {  	_ = 	snop  }
0x90: {  	s2 =	sld [smem:$0x3FC7]  }
0x91: {  	s18 =	sld [smem:$0x3FD0];
	(tm) =	ssettm $0x1  }
0x92: {  	s4 =	sld [smem:$0x3FFB];
	_ =	sdelay $0x3  }
0x93: {  	_ =	strace s4  }
0x94: {  	s4 =	sld [smem:$0x3FFC];
	_ =	sdelay $0x3  }
0x95: {  	_ =	strace s4  }
0x96: {  	s4 =	sld [smem:$0x3FFD];
	_ =	sdelay $0x3  }
0x97: {  	_ =	strace s4  }
0x98: {  	_ =	strace $0x8FFFFFFF  }
0x99: {  	s19 =	sld [smem:$0x3FDB];
	_ =	sdelay $0x1  }
0x9a: {  	s5 =	simm.s32 $_scs_section_size  }
0x9b: {  	s6 =	simm.s32 $_size__tile_overlayer_lowered;
	s7 =	simm.s32 $_tile_overlayer_lowered  }
0x9c: {  	s22 =	simm.s32 $0x1BFF;
	s21 =	sshll.u32 s7, $0x1;
	s4 =	sadd.s32 s5, s19  }
0x9d: {  	s8 =	simm.s32 $0x0;
	s20 =	sshll.u32 s6, $0x1;
	s6 =	sadd.s32 s21, s4  }
0x9e: {  	[timem:s8], [sflag:s22] =	dma.local [hbm:s6], s20  }
0x9f: {  	_ =	swait.ge [sflag:s22], s20  }
0xa0: {  	s5 =	ssub.s32 $0x0, s20;
	[sflag:s22] =	ssyncset.done $0x0  }
0xa1: {  	[sflag:s22] =	ssyncadd.s32 s5;
	_ =	sdelay $0x1  }
0xa2: {  	s23 =	simm.s32 $0x1B8B  }
0xa3: {  	_ =	swait.ge [sflag:s23], $0x1  }
0xa4: {  	[sflag:s23] =	ssyncset.done $0x0  }
0xa5: {  	s25 =	simm.s32 $0x1B8E;
	s24 =	sld [smem:$0x3FFE];
	[sflag:s23] =	ssyncadd.s32 $0xFFFFFFFF  }
0xa6: {  	s26 =	simm.s32 $execute0_lowered;
	[smem:$0x3FD2] =	sst s25  }
0xa7: {  	s6 =	sshll.u32 s26, $0x1;
	_ =	strace $0x80000046;
	[dreg:$0x1] =	wrdreg $0xFFFFFFFF  }
0xa8: {  	s28 =	simm.s32 $_size_execute0_lowered;
	s4 =	sadd.s32 s4, s6;
	[dreg:$0x0] =	wrdreg $0x0  }
0xa9: {  	s6 =	sshll.u32 s28, $0x1;
	[dreg:$0x2] =	wrdreg s4  }
0xaa: {  	[dreg:$0x3] =	wrdreg s6  }
0xab: {  	[dreg:$0x4] =	wrdreg $0xC0  }
0xac: {  	_ =	task [dreg:s8], $0x5FFFF  }
0xad: {  	[dreg:$0x1] =	wrdreg $0xFFFFFFFF  }
0xae: {  	[dreg:$0x0] =	wrdreg $0x60  }
0xaf: {  	[dreg:$0x2] =	wrdreg s24  }
0xb0: {  	[dreg:$0x3] =	wrdreg s2  }
0xb1: {  	[dreg:$0x4] =	wrdreg s18  }
0xb2: {  	[dreg:$0x5] =	wrdreg $0x9  }
0xb3: {  	_ =	task.clear_ibuf [dreg:s8], $0x6FFFF;
	_ =	strace $0x90000046  }
0xb4: {  	s29 =	simm.s32 $0x9;
	_ =	strace $0x80000048  }
0xb5: {  	_ =	swait.ge [sflag:s29], $0x1  }
0xb6: {  	[sflag:s29] =	ssyncadd.s32 $0xFFFFFFFF  }
0xb7: {  	_ =	strace $0x90000048  }
0xb8: {  	_ =	sfence  }
0xb9: {  	s30 =	sld [smem:$0x0];
	_ =	sdelay $0x2  }
0xba: {  	s31 =	sshll.u32 s1, $0xD;
	s1 =	sshrl.u32 s1, $0x2  }
0xbb: {  	s3 =	sand.u32 $0x4000, s31;
	s1 =	sadd.s32 s1, s30  }
0xbc: {  	s0 =	sor.u32 s3, s0;
	s1 =	sshll.u32 s1, $0x11  }
0xbd: {  	s0 =	sor.u32 s1, s0  }
0xbe: {  	s0 =	sadd.s32 $0x8F2B, s0  }
0xbf: {  	[sflag:s0] =	ssyncadd.remote.s32 $0x1  }
0xc0: {  	_ =	sfence.sel $0xFFFF  }
0xc1: {  	[dreg:$0x0] =	wrdreg $0xFFFFFFFF;
	(pc) =	sbr.abs _section_cstart, $3  }
0xc2: {  	[dreg:$0x1] =	wrdreg $0xFFFFFFFF  }
0xc3: {  	_ =	task.clear_ibuf [dreg:s8], $0x2FFFF;
	_ =	strace $0x9FFFFFFF  }
0xc4: {  	(tm) =	ssettm $0x7FFFFFFF  }
0xc5: {  	_ =	shalt  }
tec
execute0_lowered:
.L_overlay_start_1:
0x0: {  	(tag) =	ssettag $0x1  }
0x1: {  	s6 =	rddreg [dreg:$0x0]  }
0x2: {  	s2 =	rddreg [dreg:$0x1]  }
0x3: {  	s1 =	srdreg.scid;
	s0 =	stileid.u32  }
0x4: {  	s8 =	rddreg [dreg:$0x2];
	s3 =	simm.s32 $0x0;
	s12 =	simm.s32 $0xEB00  }
0x5: {  	s13 =	simm.s32 $0x10400;
	s14 =	simm.s32 $0x11D00;
	s15 =	simm.s32 $0x13600  }
0x6: {  	s16 =	simm.s32 $0x1;
	s17 =	simm.s32 $0x2;
	s18 =	simm.s32 $0x4E80  }
0x7: {  	s19 =	simm.s32 $0x3;
	s4 =	sand.u32 $0x1, s1;
	s5 =	sshll.u32 s0, $0x1  }
0x8: {  	s20 =	simm.s32 $0x4;
	s21 =	simm.s32 $0x9CA0;
	s5 =	sor.u32 s4, s5  }
0x9: {  	s22 =	simm.s32 $0x0;
	s1 =	rddreg [dreg:$0x3];
	s9 =	smul.u32 $0x9C4, s5  }
0xa: {  	[smem:$0x7FF] =	sst s3;
	s7 =	ssub.s32 $0x2, s4;
	s10 =	smul.u32 $0x4E20, s5  }
.Ltmp0:
0xb: {  	_ =	strace $0x80000047;
	s11 =	sshrl.u32 s7, $0x1;
	(pc) =	sbr.rel .LBB2_1-.Ltmp0, $4  }
0xc: {  	s4 =	sadd.s32 $0xE00, s6;
	s11 =	ssub.s32 s7, s11;
	s7 =	sadd.s32 $0x320, s2  }
0xd: {  	s31 =	sadd.s32 s9, s6;
	s10 =	sshrl.u32 s10, $0x3;
	s6 =	sadd.s32 $0x1120, s6  }
0xe: {  	s5 =	sadd.s32 $0xAC00, s31;
	s10 =	sadd.s32 s8, s10;
	s8 =	sadd.s32 s8, s9  }
0xf: {  	v0 =	vimm.f32 $0.0e+00;
	s9 =	sadd.s32 $0x13880, s10;
	s10 =	smax.u32 s11, $0x1;
	s11 =	simm.s32 $0x5  }
.LBB2_10:
0x10: {  	[hbm4b:s8+s3] =	stream.linear.scatter [tilespmem:s18], [sflag:$0x5], $0x4E20, $0x38;
	[tilespmem:$0x14F00] =	vst v63  }
0x11: {  	s22 =	sadd.s32 $0x1, s22;
	_ =	swait.ge [sflag:s11], $0x4E20  }
0x12: {  	p0 =	sne.s32 s22, s10;
	[sflag:s11] =	ssyncset.done $0x0  }
.Ltmp1:
0x13: {  	[sflag:s11] =	ssyncadd.s32 $0xFFFFB1E0;
	(pc) =	sbr.rel @!p0 .LBB2_11-.Ltmp1, $4  }
0x14: {  	[hbm4b:s9+s3] =	stream.linear.scatter [tilespmem:s21], [sflag:$0x5], $0x4E20, $0x38;
	[tilespmem:$0x14F00] =	vst v63  }
0x15: {  	_ =	swait.ge [sflag:s11], $0x4E20  }
0x16: {  	[sflag:s11] =	ssyncset.done $0x0  }
0x17: {  	[sflag:s11] =	ssyncadd.s32 $0xFFFFB1E0  }
.LBB2_1:
0x18: {  	[tilespmem:s3], [sflag:$0x5] =	stream.linear.gather [hbm4b:s5+s3], $0x4E20, $0x38;
	[tilespmem:$0x14F00] =	vst v63  }
0x19: {  	_ =	swait.ge [sflag:s11], $0x4E20  }
0x1a: {  	[sflag:s11] =	ssyncset.done $0x0  }
0x1b: {  	s23 =	simm.s32 $0x40;
	s24 =	simm.s32 $0x0;
	[sflag:s11] =	ssyncadd.s32 $0xFFFFB1E0  }
.LBB2_2:
0x1c: {  	p0 =	sne.s32 s23, $0x270C0;
	[tilespmem:s24+$0x4E80] =	vst v0;
	s24 =	smov.u32 s23;
	s23 =	sadd.s32 $0x40, s23  }
.Ltmp2:
0x1d: {  	(pc) =	sbr.rel @p0 .LBB2_2-.Ltmp2, $2  }
0x1e: {  	_ =	sdelay $0x2  }
0x1f: {  	s24 =	sshra.s32 s24, $0x2  }
0x20: {  	[tilespmem:s24+$0x4E80] =	vst v0;
	s23 =	simm.s32 $0x0  }
0x21: {  	[tilespmem:s12], [sflag:$0x1] =	stream.linear.gather [hbm4b:s4+s23], $0x1900, $0x38;
	[tilespmem:$0x14F00] =	vst v63  }
0x22: {  	_ = 	snop  }
0x23: {  	[tilespmem:s13], [sflag:$0x2] =	stream.linear.gather [hbm4b:s2+s23], $0x1900, $0x38;
	[tilespmem:$0x14F00] =	vst v63  }
0x24: {  	_ = 	snop  }
0x25: {  	[tilespmem:s14], [sflag:$0x3] =	stream.linear.gather [hbm4b:s6+s23], $0x1900, $0x38;
	[tilespmem:$0x14F00] =	vst v63  }
0x26: {  	_ = 	snop  }
0x27: {  	[tilespmem:s15], [sflag:$0x4] =	stream.linear.gather [hbm4b:s7+s23], $0x1900, $0x38;
	[tilespmem:$0x14F00] =	vst v63  }
.LBB2_4:
0x28: {  	_ =	swait.ge [sflag:s16], $0x1900  }
0x29: {  	[sflag:s16] =	ssyncset.done $0x0  }
0x2a: {  	[sflag:s16] =	ssyncadd.s32 $0xFFFFE700  }
0x2b: {  	_ =	swait.ge [sflag:s17], $0x1900  }
0x2c: {  	[sflag:s17] =	ssyncset.done $0x0  }
0x2d: {  	s24 =	simm.s32 $0x0;
	[sflag:s17] =	ssyncadd.s32 $0xFFFFE700  }
0x2e: {  	v2 =	vld [tilespmem:s24+$0xEB00];
	_ =	sdelay $0x4  }
0x2f: {  	s25 =	simm.s32 $0x10;
	v4 =	vand.u32 $0xFFFF, v2  }
0x30: {  	v6 =	vld [tilespmem:s25+$0xEB00];
	_ =	sdelay $0x3  }
0x31: {  	v5 =	vld.idx.msk [tilespmem:v4+s3+$0x0], $0xffff  }
0x32: {  	v1 =	vld [tilespmem:s24+$0x10400];
	v8 =	vand.u32 $0xFFFF, v6;
	_ =	sdelay $0x1  }
0x33: {  	s26 =	simm.s32 $0x20;
	v3 =	vshrl.u32 v2, $0x10  }
0x34: {  	v7 =	vld [tilespmem:s26+$0xEB00];
	v9 =	vadd.s32 $0x4E20, v3  }
0x35: {  	v4 =	vadd.s32 $0x2710, v4;
	v2 =	vshll.u32 v5, $0x10  }
0x36: {  	v11 =	vld.idx.msk [tilespmem:v8+s3+$0x0], $0xffff;
	v5 =	vand.u32 $0xFFFF0000, v5;
	v10 =	vmul.f32 v2, v1  }
0x37: {  	v2 =	vld [tilespmem:s25+$0x10400];
	v5 =	vmul.f32 v5, v1  }
0x38: {  	[tilespmem:v3+s18+$0x0] =	vst.idx.add.f32.msk $0xffff, v10  }
0x39: {  	v13 =	vand.u32 $0xFFFF, v7;
	[tilespmem:v9+s18+$0x0] =	vst.idx.add.f32.msk $0xffff, v5  }
0x3a: {  	v6 =	vshrl.u32 v6, $0x10;
	v5 =	vld.idx.msk [tilespmem:v4+s3+$0x0], $0xffff  }
0x3b: {  	s24 =	simm.s32 $0x30;
	v12 =	vadd.s32 $0x4E20, v6  }
0x3c: {  	v14 =	vshll.u32 v11, $0x10;
	v10 =	vadd.s32 $0x2710, v8;
	v9 =	vld [tilespmem:s24+$0xEB00]  }
0x3d: {  	v15 =	vand.u32 $0xFFFF0000, v11;
	v11 =	vmovc v13;
	s25 =	simm.s32 $0x100;
	v8 =	vadd.s32 $0x2710, v3;
	v4 =	vld [tilespmem:s26+$0x10400];
	v14 =	vmul.f32 v14, v2  }
.LBB2_5:
0x3e: {  	p0 =	sne.s32 s25, $0x63C0;
	v16 =	vld.idx.msk [tilespmem:v13+s3+$0x0], $0xffff;
	v13 =	vmul.f32 v15, v2;
	v15 =	vadd.s32 $0x7530, v3;
	v3 =	vmov v6  }
0x3f: {  	[tilespmem:v6+s18+$0x0] =	vst.idx.add.f32.msk $0xffff, v14;
	v6 =	vshll.u32 v5, $0x10  }
0x40: {  	[tilespmem:v12+s18+$0x0] =	vst.idx.add.f32.msk $0xffff, v13;
	v12 =	vand.u32 $0xFFFF0000, v5;
	v14 =	vmul.f32 v6, v1  }
.Ltmp3:
0x41: {  	v13 =	vand.u32 $0xFFFF, v9;
	v5 =	vld.idx.msk [tilespmem:v10+s3+$0x0], $0xffff;
	v10 =	vmul.f32 v12, v1;
	v1 =	vmov v2;
	(pc) =	sbr.rel @p0 .LBB2_5-.Ltmp3, $4  }
0x42: {  	v6 =	vshrl.u32 v7, $0x10;
	v7 =	vmov v9;
	[tilespmem:v8+s18+$0x0] =	vst.idx.add.f32.msk $0xffff, v14;
	v2 =	vmov v4  }
0x43: {  	s26 =	sshra.s32 s25, $0x2;
	v12 =	vadd.s32 $0x4E20, v6;
	[tilespmem:v15+s18+$0x0] =	vst.idx.add.f32.msk $0xffff, v10  }
0x44: {  	v8 =	vshll.u32 v16, $0x10;
	v10 =	vadd.s32 $0x2710, v11;
	v11 =	vmov v13;
	v9 =	vld [tilespmem:s26+$0xEB00]  }
0x45: {  	s25 =	sadd.s32 $0x40, s25;
	v15 =	vand.u32 $0xFFFF0000, v16;
	v14 =	vmul.f32 v8, v2;
	v8 =	vadd.s32 $0x2710, v3;
	v4 =	vld [tilespmem:s24+$0x10400];
	s24 =	smov.u32 s26  }
0x46: {  	_ =	sdelay $0x2  }
0x47: {  	v16 =	vand.u32 $0xFFFF, v9  }
0x48: {  	v13 =	vld.idx.msk [tilespmem:v13+s3+$0x0], $0xffff;
	_ =	sdelay $0x2  }
0x49: {  	v7 =	vshrl.u32 v7, $0x10  }
0x4a: {  	v17 =	vadd.s32 $0x4E20, v7;
	v18 =	vld.idx.msk [tilespmem:v16+s3+$0x0], $0xffff  }
0x4b: {  	v15 =	vmul.f32 v15, v2;
	v20 =	vld [tilespmem:s24+$0x10400];
	v19 =	vshll.u32 v13, $0x10  }
0x4c: {  	v11 =	vadd.s32 $0x2710, v11;
	[tilespmem:v6+s18+$0x0] =	vst.idx.add.f32.msk $0xffff, v14;
	v13 =	vand.u32 $0xFFFF0000, v13;
	v14 =	vmul.f32 v19, v4  }
0x4d: {  	[tilespmem:v12+s18+$0x0] =	vst.idx.add.f32.msk $0xffff, v15;
	v9 =	vshrl.u32 v9, $0x10;
	v12 =	vmul.f32 v13, v4  }
0x4e: {  	v13 =	vadd.s32 $0x4E20, v9;
	[tilespmem:v7+s18+$0x0] =	vst.idx.add.f32.msk $0xffff, v14  }
0x4f: {  	v14 =	vadd.s32 $0x2710, v16;
	[tilespmem:v17+s18+$0x0] =	vst.idx.add.f32.msk $0xffff, v12;
	v12 =	vshll.u32 v18, $0x10  }
0x50: {  	v10 =	vld.idx.msk [tilespmem:v10+s3+$0x0], $0xffff;
	v15 =	vand.u32 $0xFFFF0000, v18;
	v12 =	vmul.f32 v12, v20  }
0x51: {  	v11 =	vld.idx.msk [tilespmem:v11+s3+$0x0], $0xffff;
	v15 =	vmul.f32 v15, v20  }
0x52: {  	v3 =	vadd.s32 $0x7530, v3;
	[tilespmem:v9+s18+$0x0] =	vst.idx.add.f32.msk $0xffff, v12  }
0x53: {  	v12 =	vshll.u32 v5, $0x10;
	[tilespmem:v13+s18+$0x0] =	vst.idx.add.f32.msk $0xffff, v15;
	v13 =	vadd.s32 $0x2710, v6  }
0x54: {  	v5 =	vand.u32 $0xFFFF0000, v5;
	v12 =	vmul.f32 v12, v1;
	v6 =	vadd.s32 $0x7530, v6;
	v14 =	vld.idx.msk [tilespmem:v14+s3+$0x0], $0xffff  }
0x55: {  	v1 =	vmul.f32 v5, v1;
	v5 =	vshll.u32 v10, $0x10;
	v15 =	vadd.s32 $0x2710, v7  }
0x56: {  	v7 =	vadd.s32 $0x7530, v7;
	v5 =	vmul.f32 v5, v2;
	[tilespmem:v8+s18+$0x0] =	vst.idx.add.f32.msk $0xffff, v12;
	v8 =	vand.u32 $0xFFFF0000, v10  }
0x57: {  	[tilespmem:v3+s18+$0x0] =	vst.idx.add.f32.msk $0xffff, v1;
	v1 =	vmul.f32 v8, v2;
	v2 =	vshll.u32 v11, $0x10;
	v3 =	vadd.s32 $0x2710, v9  }
0x58: {  	p0 =	seq.s32 s23, $0x18;
	v8 =	vadd.s32 $0x7530, v9;
	v2 =	vmul.f32 v2, v4;
	[tilespmem:v13+s18+$0x0] =	vst.idx.add.f32.msk $0xffff, v5;
	v5 =	vand.u32 $0xFFFF0000, v11  }
0x59: {  	s24 =	smul.u32 @!p0 $0x3200, s23;
	[tilespmem:v6+s18+$0x0] =	vst.idx.add.f32.msk $0xffff, v1;
	v1 =	vmul.f32 v5, v4;
	v4 =	vshll.u32 v14, $0x10  }
0x5a: {  	[tilespmem:v15+s18+$0x0] =	vst.idx.add.f32.msk $0xffff, v2;
	v2 =	vand.u32 $0xFFFF0000, v14;
	v4 =	vmul.f32 v4, v20  }
0x5b: {  	s24 =	sshrl.u32 @!p0 s24, $0x3;
	[tilespmem:v7+s18+$0x0] =	vst.idx.add.f32.msk $0xffff, v1;
	v1 =	vmul.f32 v2, v20  }
0x5c: {  	s24 =	sadd.s32 @!p0 $0x640, s24;
	[tilespmem:v3+s18+$0x0] =	vst.idx.add.f32.msk $0xffff, v4  }
0x5d: {  	s26 =	simm.s32 @!p0 $0x0;
	s28 =	simm.s32 @!p0 $0xEB00;
	s25 =	sadd.s32 @!p0 s4, s24;
	[tilespmem:v8+s18+$0x0] =	vst.idx.add.f32.msk $0xffff, v1  }
0x5e: {  	[tilespmem:s28], [sflag:$0x1] =	stream.linear.gather @!p0 [hbm4b:s25+s26], $0x1900, $0x38;
	[tilespmem:$0x14F00] =	vst v63  }
0x5f: {  	s24 =	sadd.s32 @!p0 s2, s24;
	s25 =	simm.s32 @!p0 $0x10400  }
0x60: {  	[tilespmem:s25], [sflag:$0x2] =	stream.linear.gather @!p0 [hbm4b:s24+s26], $0x1900, $0x38;
	[tilespmem:$0x14F00] =	vst v63  }
0x61: {  	_ =	swait.ge [sflag:s19], $0x1900  }
0x62: {  	[sflag:s19] =	ssyncset.done $0x0  }
0x63: {  	[sflag:s19] =	ssyncadd.s32 $0xFFFFE700  }
0x64: {  	_ =	swait.ge [sflag:s20], $0x1900  }
0x65: {  	[sflag:s20] =	ssyncset.done $0x0  }
0x66: {  	s29 =	simm.s32 $0x0;
	[sflag:s20] =	ssyncadd.s32 $0xFFFFE700  }
0x67: {  	v2 =	vld [tilespmem:s29+$0x11D00];
	_ =	sdelay $0x4  }
0x68: {  	s30 =	simm.s32 $0x10;
	v4 =	vand.u32 $0xFFFF, v2  }
0x69: {  	v6 =	vld [tilespmem:s30+$0x11D00];
	_ =	sdelay $0x3  }
0x6a: {  	v5 =	vld.idx.msk [tilespmem:v4+s3+$0x0], $0xffff  }
0x6b: {  	v1 =	vld [tilespmem:s29+$0x13600];
	v8 =	vand.u32 $0xFFFF, v6;
	_ =	sdelay $0x1  }
0x6c: {  	s31 =	simm.s32 $0x20;
	v3 =	vshrl.u32 v2, $0x10  }
0x6d: {  	v7 =	vld [tilespmem:s31+$0x11D00];
	v9 =	vadd.s32 $0x4E20, v3  }
0x6e: {  	v4 =	vadd.s32 $0x2710, v4;
	v2 =	vshll.u32 v5, $0x10  }
0x6f: {  	v11 =	vld.idx.msk [tilespmem:v8+s3+$0x0], $0xffff;
	v5 =	vand.u32 $0xFFFF0000, v5;
	v10 =	vmul.f32 v2, v1  }
0x70: {  	v2 =	vld [tilespmem:s30+$0x13600];
	v5 =	vmul.f32 v5, v1  }
0x71: {  	[tilespmem:v3+s18+$0x0] =	vst.idx.add.f32.msk $0xffff, v10  }
0x72: {  	v13 =	vand.u32 $0xFFFF, v7;
	[tilespmem:v9+s18+$0x0] =	vst.idx.add.f32.msk $0xffff, v5  }
0x73: {  	v6 =	vshrl.u32 v6, $0x10;
	v5 =	vld.idx.msk [tilespmem:v4+s3+$0x0], $0xffff  }
0x74: {  	s24 =	simm.s32 $0x30;
	v12 =	vadd.s32 $0x4E20, v6  }
0x75: {  	v14 =	vshll.u32 v11, $0x10;
	v10 =	vadd.s32 $0x2710, v8;
	v9 =	vld [tilespmem:s24+$0x11D00]  }
0x76: {  	s25 =	simm.s32 $0x100;
	v15 =	vand.u32 $0xFFFF0000, v11;
	v11 =	vmovc v13;
	v8 =	vadd.s32 $0x2710, v3;
	v4 =	vld [tilespmem:s31+$0x13600];
	v14 =	vmul.f32 v14, v2  }
.LBB2_7:
0x77: {  	p1 =	sne.s32 s25, $0x63C0;
	v16 =	vld.idx.msk [tilespmem:v13+s3+$0x0], $0xffff;
	v13 =	vmul.f32 v15, v2;
	v15 =	vadd.s32 $0x7530, v3;
	v3 =	vmov v6  }
0x78: {  	[tilespmem:v6+s18+$0x0] =	vst.idx.add.f32.msk $0xffff, v14;
	v6 =	vshll.u32 v5, $0x10  }
0x79: {  	[tilespmem:v12+s18+$0x0] =	vst.idx.add.f32.msk $0xffff, v13;
	v12 =	vand.u32 $0xFFFF0000, v5;
	v14 =	vmul.f32 v6, v1  }
.Ltmp4:
0x7a: {  	v13 =	vand.u32 $0xFFFF, v9;
	v5 =	vld.idx.msk [tilespmem:v10+s3+$0x0], $0xffff;
	v10 =	vmul.f32 v12, v1;
	v1 =	vmov v2;
	(pc) =	sbr.rel @p1 .LBB2_7-.Ltmp4, $4  }
0x7b: {  	v6 =	vshrl.u32 v7, $0x10;
	v7 =	vmov v9;
	[tilespmem:v8+s18+$0x0] =	vst.idx.add.f32.msk $0xffff, v14;
	v2 =	vmov v4  }
0x7c: {  	s26 =	sshra.s32 s25, $0x2;
	v12 =	vadd.s32 $0x4E20, v6;
	[tilespmem:v15+s18+$0x0] =	vst.idx.add.f32.msk $0xffff, v10  }
0x7d: {  	v8 =	vshll.u32 v16, $0x10;
	v10 =	vadd.s32 $0x2710, v11;
	v11 =	vmov v13;
	v9 =	vld [tilespmem:s26+$0x11D00]  }
0x7e: {  	s25 =	sadd.s32 $0x40, s25;
	v15 =	vand.u32 $0xFFFF0000, v16;
	v14 =	vmul.f32 v8, v2;
	v8 =	vadd.s32 $0x2710, v3;
	v4 =	vld [tilespmem:s24+$0x13600];
	s24 =	smov.u32 s26  }
0x7f: {  	_ =	sdelay $0x2  }
0x80: {  	v16 =	vand.u32 $0xFFFF, v9;
	_ =	sdelay $0x1  }
0x81: {  	v13 =	vld.idx.msk [tilespmem:v13+s3+$0x0], $0xffff;
	_ =	sdelay $0x2  }
0x82: {  	v7 =	vshrl.u32 v7, $0x10;
	v18 =	vld.idx.msk [tilespmem:v16+s3+$0x0], $0xffff  }
0x83: {  	v15 =	vmul.f32 v15, v2;
	v20 =	vld [tilespmem:s24+$0x13600];
	v17 =	vadd.s32 $0x4E20, v7  }
0x84: {  	v11 =	vadd.s32 $0x2710, v11;
	[tilespmem:v6+s18+$0x0] =	vst.idx.add.f32.msk $0xffff, v14;
	v19 =	vshll.u32 v13, $0x10  }
0x85: {  	[tilespmem:v12+s18+$0x0] =	vst.idx.add.f32.msk $0xffff, v15;
	v49 =	vshrl.u32 v9, $0x10;
	v13 =	vand.u32 $0xFFFF0000, v13;
	v47 =	vmul.f32 v19, v4  }
0x86: {  	v10 =	vld.idx.msk [tilespmem:v10+s3+$0x0], $0xffff;
	v50 =	vadd.s32 $0x4E20, v49;
	v48 =	vmul.f32 v13, v4  }
0x87: {  	v52 =	vadd.s32 $0x2710, v16;
	[tilespmem:v7+s18+$0x0] =	vst.idx.add.f32.msk $0xffff, v47;
	v51 =	vshll.u32 v18, $0x10  }
0x88: {  	[tilespmem:v17+s18+$0x0] =	vst.idx.add.f32.msk $0xffff, v48;
	v53 =	vand.u32 $0xFFFF0000, v18;
	v12 =	vmul.f32 v51, v20  }
0x89: {  	v11 =	vld.idx.msk [tilespmem:v11+s3+$0x0], $0xffff;
	v15 =	vmul.f32 v53, v20  }
0x8a: {  	v3 =	vadd.s32 $0x7530, v3;
	[tilespmem:v49+s18+$0x0] =	vst.idx.add.f32.msk $0xffff, v12  }
0x8b: {  	v54 =	vshll.u32 v5, $0x10;
	v55 =	vadd.s32 $0x2710, v6;
	[tilespmem:v50+s18+$0x0] =	vst.idx.add.f32.msk $0xffff, v15  }
0x8c: {  	v56 =	vand.u32 $0xFFFF0000, v5;
	v57 =	vadd.s32 $0x7530, v6;
	v12 =	vmul.f32 v54, v1;
	v14 =	vld.idx.msk [tilespmem:v52+s3+$0x0], $0xffff  }
0x8d: {  	v59 =	vadd.s32 $0x2710, v7;
	v58 =	vshll.u32 v10, $0x10;
	v1 =	vmul.f32 v56, v1  }
0x8e: {  	v60 =	vand.u32 $0xFFFF0000, v10;
	v7 =	vadd.s32 $0x7530, v7;
	v5 =	vmul.f32 v58, v2;
	[tilespmem:v8+s18+$0x0] =	vst.idx.add.f32.msk $0xffff, v12  }
0x8f: {  	[tilespmem:v3+s18+$0x0] =	vst.idx.add.f32.msk $0xffff, v1;
	v1 =	vmul.f32 v60, v2;
	v2 =	vshll.u32 v11, $0x10;
	v3 =	vadd.s32 $0x2710, v49  }
0x90: {  	v62 =	vadd.s32 $0x7530, v49;
	[tilespmem:v55+s18+$0x0] =	vst.idx.add.f32.msk $0xffff, v5;
	v61 =	vand.u32 $0xFFFF0000, v11;
	v2 =	vmul.f32 v2, v4  }
.Ltmp5:
0x91: {  	[tilespmem:v57+s18+$0x0] =	vst.idx.add.f32.msk $0xffff, v1;
	v1 =	vmul.f32 v61, v4;
	v63 =	vshll.u32 v14, $0x10;
	(pc) =	sbr.rel @p0 .LBB2_10-.Ltmp5, $4  }
0x92: {  	[tilespmem:v59+s18+$0x0] =	vst.idx.add.f32.msk $0xffff, v2;
	v2 =	vand.u32 $0xFFFF0000, v14;
	v4 =	vmul.f32 v63, v20  }
0x93: {  	[tilespmem:v7+s18+$0x0] =	vst.idx.add.f32.msk $0xffff, v1;
	v1 =	vmul.f32 v2, v20  }
0x94: {  	[tilespmem:v3+s18+$0x0] =	vst.idx.add.f32.msk $0xffff, v4  }
0x95: {  	[tilespmem:v62+s18+$0x0] =	vst.idx.add.f32.msk $0xffff, v1  }
0x96: {  	s24 =	smul.u32 $0x3200, s23;
	_ =	sdelay $0x1  }
0x97: {  	s24 =	sshrl.u32 s24, $0x3  }
.Ltmp6:
0x98: {  	s24 =	sadd.s32 $0x960, s24;
	(pc) =	sbr.rel .LBB2_4-.Ltmp6, $4  }
0x99: {  	s25 =	sadd.s32 s4, s24  }
0x9a: {  	[tilespmem:s14], [sflag:$0x3] =	stream.linear.gather [hbm4b:s25+s3], $0x1900, $0x38;
	[tilespmem:$0x14F00] =	vst v63  }
0x9b: {  	s23 =	sadd.s32 $0x1, s23;
	s24 =	sadd.s32 s2, s24  }
0x9c: {  	[tilespmem:s15], [sflag:$0x4] =	stream.linear.gather [hbm4b:s24+s3], $0x1900, $0x38;
	[tilespmem:$0x14F00] =	vst v63  }
.LBB2_11:
0x9d: {  	_ =	sfence.sel $0x180000  }
0x9e: {  	[bflag:$0x0] =	sbarrier.arrive $0xFFFF  }
0x9f: {  	p0 =	sne.s32 s0, $0x0;
	_ =	strace $0x90000047  }
0xa0: {  	s0 =	sadd.s32 @!p0 $0x100000, s1;
	[bflag:$0x2] =	sbarrier.arrive $0xFFFF  }
0xa1: {  	[sflag:s0] =	ssyncadd.tile.s32 @!p0 $0x1;
	_ =	shalt  }
.Lfunc_end2:
_tile_overlayer_lowered:
.L_overlay_start_2:
0xa2: {  	(tag) =	ssettag $0x2  }
0xa3: {  	s0 =	rddreg [dreg:$0x0];
	s2 =	stileid.u32  }
0xa4: {  	s1 =	rddreg [dreg:$0x1];
	p0 =	sne.s32 s2, $0x0  }
0xa5: {  	s3 =	rddreg [dreg:$0x2];
	[bflag:$0x3] =	sbarrier.arrive $0xFFFF;
	s2 =	simm.s32 @!p0 $0x1C05  }
0xa6: {  	[timem:s3], [sflag:s2] =	dma.local @!p0 [hbm:s0], s1  }
0xa7: {  	s0 =	simm.s32 @!p0 $0x5  }
0xa8: {  	_ =	swait.ge @!p0 [sflag:s0], s1  }
0xa9: {  	s1 =	ssub.s32 @!p0 $0x0, s1;
	[sflag:s0] =	ssyncset.done @!p0 $0x0  }
0xaa: {  	[sflag:s0] =	ssyncadd.s32 @!p0 s1  }
0xab: {  	[bflag:$0x3] =	sbarrier.arrive $0xFFFF  }
0xac: {  	_ =	shalt  }

</sc_bundles>
